<compile_context>
chip_gen: v7x
topology: tpu7x:2x2x1
jax: 0.10.2.dev20260603
libtpu: 0.0.44.dev20260713+nightly
codegen_flags: <defaults>
</compile_context>

<pallas_src>
import jax
import jax.numpy as jnp
from jax.experimental import pallas as pl

_N_FIELDS, _N_NODES, _D_FEAT = 2, 10000, 512
_TOTAL = _N_FIELDS * _N_NODES * _D_FEAT
_BLOCK = _TOTAL // 5


def _copy_body(src_ref, out_ref):
    out_ref[...] = src_ref[...]


def kernel(old_g_nodes, new_g_nodes, time_map_nodes, weight, bias):
    x = new_g_nodes.reshape(_TOTAL)
    out = pl.pallas_call(
        _copy_body,
        grid=(_TOTAL // _BLOCK,),
        in_specs=[pl.BlockSpec((_BLOCK,), lambda i: (i,))],
        out_specs=pl.BlockSpec((_BLOCK,), lambda i: (i,)),
        out_shape=jax.ShapeDtypeStruct((_TOTAL,), jnp.float32),
    )(x)
    return out.reshape(_N_FIELDS, _N_NODES, _D_FEAT)

# --- scband reference (transcript-rebuilt; emitter-appended) ---
"""Pipeline reference for scband-node-1219770712269 (READ-ONLY COPY).

The authoritative reference and input builder live on the scoring server;
editing this copy changes nothing except your own understanding.
"""

import jax, jax.numpy as jnp
import numpy as np

N_FIELDS, N_NODES, D_FEAT = 2, 10000, 512
INP_PATTERNS = [((0,), (1,))]
IN_AXES_DEF = (0, 0)


def _runnable(a, b):
    # Compute-heavy per-node kernel applied via vmap over selected nodes.
    # a, b: float32[D_FEAT]; outer product + tanh + reduce -> float32[D_FEAT]
    return jnp.tanh(jnp.outer(a, b) / jnp.sqrt(jnp.float32(a.shape[0]))).sum(axis=1)


def setup_inputs(seed: int = 0) -> dict:
    key = jax.random.key(seed)
    k1, k2, k3 = jax.random.split(key, 3)
    old_g_nodes = jax.random.normal(k1, (N_FIELDS, N_NODES, D_FEAT), dtype=jnp.float32)
    new_g_nodes = jax.random.normal(k2, (N_FIELDS, N_NODES, D_FEAT), dtype=jnp.float32)
    # time_map mask: all-True so the gathered shapes are static (full node set)
    time_map_nodes = jnp.ones((N_FIELDS, N_NODES), dtype=bool)
    weight = jax.random.normal(k3, (1,), dtype=jnp.float32)  # nnx.Param(weight)
    bias = jnp.zeros((1,), dtype=jnp.float32)                # nnx.Param(bias)
    return {"old_g_nodes": old_g_nodes, "new_g_nodes": new_g_nodes,
            "time_map_nodes": time_map_nodes, "weight": weight, "bias": bias}


def reference(old_g_nodes, new_g_nodes, time_map_nodes, weight, bias):
    # Faithful translation of Node.__call__: for each pattern collection,
    # gather masked node grids from old_g, run the vmapped kernel, collect
    # results (which the original discards), then return new_g.
    results = []
    for patterns in INP_PATTERNS:
        inputs = []
        for p in patterns:
            grid = old_g_nodes[tuple(p)]           # old_g.nodes[tuple(p)]
            mask = time_map_nodes[tuple(p)]        # emap.nodes[tuple(p)]
            idx = jnp.nonzero(mask, size=mask.shape[0], fill_value=0)[0]  # param_grid[mask] as gather
            inputs.append(jnp.take(grid, idx, axis=0))
        res = jax.vmap(_runnable, in_axes=IN_AXES_DEF)(*inputs)
        results.append(res)
    return new_g_nodes

if __name__ == "__main__":
    import jax
    _d = setup_inputs()
    print(jax.jit(kernel)(*tuple(_d.values())))

</pallas_src>

<mosaic_0001>
module attributes {stable_mosaic.version = 14 : i64} {
  func.func @_copy_body(%arg0: i32, %arg1: memref<2048000xf32, #tpu.memory_space<vmem>>, %arg2: memref<2048000xf32, #tpu.memory_space<vmem>>) attributes {dimension_semantics = [#tpu.dimension_semantics<arbitrary>], iteration_bounds = array<i64: 5>, scalar_prefetch = 0 : i64, scratch_operands = 0 : i64, tpu.core_type = #tpu.core_type<tc>, window_params = [{transform_indices = @transform_0, window_bounds = array<i64: 2048000>}, {transform_indices = @transform_1, window_bounds = array<i64: 2048000>}]} {
    %get3A = arith.constant 0 : index
    %get3A_0 = vector.load %arg1[%get3A] : memref<2048000xf32, #tpu.memory_space<vmem>>, vector<2048000xf32>
    %swap3A = arith.constant 0 : index
    %swap3A_1 = vector.load %arg2[%swap3A] : memref<2048000xf32, #tpu.memory_space<vmem>>, vector<2048000xf32>
    tpu.vector_store %arg2[%swap3A], %get3A_0 {strides = array<i32>} : memref<2048000xf32, #tpu.memory_space<vmem>>, vector<2048000xf32>,
    return
  }
  func.func @transform_0(%arg0: i32) -> i32 {
    %c0_i32 = arith.constant 0 : i32
    return %arg0 : i32
  }
  func.func @transform_1(%arg0: i32) -> i32 {
    %c0_i32 = arith.constant 0 : i32
    return %arg0 : i32
  }
}

</mosaic_0001>

<sc_bundles>
// kernel: sparse-core-data-format-call.cloned.1.call-start
scs
called_computation_lowered:
.L_overlay_start_0:
0x0: {  	s2 =	sld [smem:$0x3FD9]  }
0x1: {  	s3 =	sld [smem:$0x3FFE];
	_ =	sdelay $0x1  }
0x2: {  	s1 =	srdreg.scid  }
0x3: {  	s0 =	sand.u32 $0x1, s1  }
0x4: {  	s19 =	sshll.u32 s0, $0xA;
	s2 =	sadd.s32 s3, s2  }
0x5: {  	s2 =	sadd.s32 s2, s19  }
0x6: {  	[smem:$0x3FC7] =	sst s2  }
0x7: {  	_ = 	snop  }
0x8: {  	s2 =	sld [smem:$0x3FC9]  }
0x9: {  	s20 =	sld [smem:$0x3FD0];
	(tm) =	ssettm $0x1  }
0xa: {  	s4 =	sld [smem:$0x3FFB];
	_ =	sdelay $0x3  }
0xb: {  	_ =	strace s4  }
0xc: {  	s4 =	sld [smem:$0x3FFC];
	_ =	sdelay $0x3  }
0xd: {  	_ =	strace s4  }
0xe: {  	s4 =	sld [smem:$0x3FFD];
	_ =	sdelay $0x3  }
0xf: {  	_ =	strace s4  }
0x10: {  	_ =	strace $0x8FFFFFFF  }
0x11: {  	s21 =	sld [smem:$0x3FDB];
	_ =	sdelay $0x1  }
0x12: {  	s5 =	simm.s32 $_scs_section_size  }
0x13: {  	s6 =	simm.s32 $_size__tile_overlayer_lowered;
	s7 =	simm.s32 $_tile_overlayer_lowered  }
0x14: {  	s24 =	simm.s32 $0x1BFF;
	s23 =	sshll.u32 s7, $0x1;
	s4 =	sadd.s32 s5, s21  }
0x15: {  	s8 =	simm.s32 $0x0;
	s22 =	sshll.u32 s6, $0x1;
	s6 =	sadd.s32 s23, s4  }
0x16: {  	[timem:s8], [sflag:s24] =	dma.local [hbm:s6], s22  }
0x17: {  	_ =	swait.ge [sflag:s24], s22  }
0x18: {  	s5 =	ssub.s32 $0x0, s22;
	[sflag:s24] =	ssyncset.done $0x0  }
0x19: {  	[sflag:s24] =	ssyncadd.s32 s5;
	_ =	sdelay $0x1  }
0x1a: {  	s25 =	simm.s32 $0x1B8B  }
0x1b: {  	_ =	swait.ge [sflag:s25], $0x1  }
0x1c: {  	[sflag:s25] =	ssyncset.done $0x0  }
0x1d: {  	s26 =	simm.s32 $0x1B8E;
	[sflag:s25] =	ssyncadd.s32 $0xFFFFFFFF  }
0x1e: {  	s27 =	simm.s32 $execute0_lowered;
	[smem:$0x3FD2] =	sst s26  }
0x1f: {  	s5 =	sshll.u32 s27, $0x1;
	_ =	strace $0x80000046;
	[dreg:$0x1] =	wrdreg $0xFFFFFFFF  }
0x20: {  	s28 =	simm.s32 $_size_execute0_lowered;
	s4 =	sadd.s32 s4, s5;
	[dreg:$0x0] =	wrdreg $0x0  }
0x21: {  	s5 =	sshll.u32 s28, $0x1;
	[dreg:$0x2] =	wrdreg s4  }
0x22: {  	[dreg:$0x3] =	wrdreg s5  }
0x23: {  	[dreg:$0x4] =	wrdreg $0xC0  }
0x24: {  	_ =	task [dreg:s8], $0x5FFFF  }
0x25: {  	[dreg:$0x1] =	wrdreg $0xFFFFFFFF  }
0x26: {  	[dreg:$0x0] =	wrdreg $0x60  }
0x27: {  	[dreg:$0x2] =	wrdreg s2  }
0x28: {  	[dreg:$0x3] =	wrdreg s20  }
0x29: {  	[dreg:$0x4] =	wrdreg $0x9  }
0x2a: {  	_ =	task.clear_ibuf [dreg:s8], $0x5FFFF;
	_ =	strace $0x90000046  }
0x2b: {  	s29 =	simm.s32 $0x9;
	_ =	strace $0x80000048  }
0x2c: {  	_ =	swait.ge [sflag:s29], $0x1  }
0x2d: {  	[sflag:s29] =	ssyncadd.s32 $0xFFFFFFFF  }
0x2e: {  	_ =	strace $0x90000048  }
0x2f: {  	_ =	sfence  }
0x30: {  	s30 =	sld [smem:$0x0];
	_ =	sdelay $0x2  }
0x31: {  	s31 =	sshll.u32 s1, $0xD;
	s1 =	sshrl.u32 s1, $0x2  }
0x32: {  	s3 =	sand.u32 $0x4000, s31;
	s1 =	sadd.s32 s1, s30  }
0x33: {  	s0 =	sor.u32 s3, s0;
	s1 =	sshll.u32 s1, $0x11  }
0x34: {  	s0 =	sor.u32 s1, s0  }
0x35: {  	s0 =	sadd.s32 $0x8F2B, s0  }
0x36: {  	[sflag:s0] =	ssyncadd.remote.s32 $0x1  }
0x37: {  	_ =	sfence.sel $0xFFFF  }
0x38: {  	[dreg:$0x0] =	wrdreg $0xFFFFFFFF;
	(pc) =	sbr.abs _section_cstart, $3  }
0x39: {  	[dreg:$0x1] =	wrdreg $0xFFFFFFFF  }
0x3a: {  	_ =	task.clear_ibuf [dreg:s8], $0x2FFFF;
	_ =	strace $0x9FFFFFFF  }
0x3b: {  	(tm) =	ssettm $0x7FFFFFFF  }
tec
execute0_lowered:
.L_overlay_start_1:
0x0: {  	(tag) =	ssettag $0x1  }
0x1: {  	s0 =	srdreg.scid  }
0x2: {  	s1 =	sshll.u32 s0, $0x4  }
0x3: {  	s2 =	rddreg [dreg:$0x0];
	s0 =	stileid.u32;
	s1 =	sand.u32 $0x10, s1  }
0x4: {  	s4 =	rddreg [dreg:$0x1];
	s1 =	sor.u32 s0, s1  }
0x5: {  	s7 =	simm.s32 $0x1;
	s8 =	simm.s32 $0x2;
	s3 =	sshll.u32 s1, $0x2  }
0x6: {  	s9 =	simm.s32 $0x0;
	s12 =	simm.s32 $0x0;
	s6 =	ssub.s32 $0x9C4, s3  }
.Ltmp0:
0x7: {  	s11 =	simm.s32 $0x0;
	s5 =	sand.u32 $0x7C, s6;
	(pc) =	sbr.rel .LBB1_1-.Ltmp0, $4  }
0x8: {  	s1 =	rddreg [dreg:$0x2];
	_ =	strace $0x80000047;
	p0 =	sne.s32 s5, $0x0  }
0x9: {  	s6 =	sshrl.u32 s6, $0x7;
	s5 =	simm.s32 $0x1;
	s7 =	simm.s32 @!p0 $0x0  }
0xa: {  	s10 =	smov.u32 s3;
	[sflag:s5] =	ssyncpa.u1 $0x0;
	s6 =	sadd.s32 s7, s6  }
0xb: {  	[sflag:s8] =	ssyncpa.u1 $0x0;
	s8 =	simm.s32 $0x0;
	s7 =	sadd.s32 $0x1, s6  }
.LBB1_9:
0xc: {  	s14 =	sadd.s32 $0x80, s10  }
0xd: {  	p1 =	sgt.s32 s14, $0x9C3  }
0xe: {  	s14 =	smov.u32 @p1 s3;
	p1 =	sne.s32 s11, s7  }
.Ltmp1:
0xf: {  	p0 =	slt.u32 s11, $0x2;
	(pc) =	sbr.rel @!p1 .LBB1_10-.Ltmp1, $4  }
0x10: {  	s13 =	simm.s32 @!p0 $0x2  }
0x11: {  	s15 =	sadd.s32 $0x1, s11;
	_ =	swait.ge @!p0 [sflag:s13], $0x4000  }
0x12: {  	s12 =	smov.u32 s10;
	s9 =	sadd.s32 $0x4000, s9;
	[sflag:s13] =	ssyncset.done @!p0 $0x0  }
0x13: {  	s11 =	smov.u32 s15;
	s10 =	smov.u32 s14;
	[sflag:s13] =	ssyncadd.s32 @!p0 $0xFFFFC000  }
.LBB1_1:
0x14: {  	p0 =	sge.u32 s11, s6  }
0x15: {  	s13 =	sxor.u32 @!p0 $0xFFFFFFFF, s11  }
0x16: {  	s31 =	sadd.s32 $0xFFFFFFFF, s11;
	s14 =	sshll.u32 @!p0 s10, $0x9;
	s13 =	sshll.u32 @!p0 s13, $0xE  }
0x17: {  	s15 =	simm.s32 @!p0 $0x0;
	s14 =	sadd.s32 @!p0 s2, s14;
	s13 =	sand.u32 @!p0 $0x4000, s13  }
0x18: {  	[tilespmem:s13], [sflag:$0x1] =	stream.linear.gather @!p0 [hbm4b:s14+s15], $0x4000, $0x38;
	[tilespmem:$0x10000] =	vst v63  }
0x19: {  	p0 =	sge.u32 s31, s6  }
.Ltmp2:
0x1a: {  	_ = 	snop;
	(pc) =	sbr.rel @p0 .LBB1_9-.Ltmp2, $1  }
0x1b: {  	_ =	sdelay $0x3  }
0x1c: {  	s14 =	sand.u32 $0x4000, s9  }
0x1d: {  	_ =	swait.ge [sflag:s5], $0x4000;
	s15 =	sshll.u32 s11, $0xE;
	s16 =	simm.s32 $0x0  }
0x1e: {  	s13 =	sor.u32 $0x40, s14;
	[sflag:s5] =	ssyncset.done $0x0;
	s15 =	sand.u32 $0x4000, s15  }
0x1f: {  	s14 =	sor.u32 $0x8040, s14;
	[sflag:s5] =	ssyncadd.s32 $0xFFFFC000;
	s15 =	sor.u32 $0x8000, s15  }
.LBB1_3:
0x20: {  	s17 =	smov.u32 s14;
	s18 =	smov.u32 s13;
	s19 =	simm.s32 $0x0  }
.LBB1_4:
0x21: {  	v0 =	vmov s17;
	v2 =	vld [tilespmem:s18+$0x30]  }
0x22: {  	v4 =	vld [tilespmem:s18+$0xFFFFFFD0]  }
0x23: {  	v6 =	vld [tilespmem:s18+$0xFFFFFFE0]  }
0x24: {  	v7 =	vld [tilespmem:s18+$0xFFFFFFF0]  }
0x25: {  	s20 =	simm.s32 $0x0;
	v1 =	vld [tilespmem:s18+$0x0]  }
0x26: {  	v3 =	vld [tilespmem:s18+$0x10];
	[tilespmem:v0+s20+$0x30 ss:$0x1] =	vst.idx.msk $0xffff, v2  }
0x27: {  	v5 =	vld [tilespmem:s18+$0x20];
	[tilespmem:v0+s20+$0xFFFFFFD0 ss:$0x1] =	vst.idx.msk $0xffff, v4  }
0x28: {  	s21 =	sadd.s32 $0x80, s18;
	v2 =	vld [tilespmem:s18+$0xFFFFFFC0];
	[tilespmem:v0+s20+$0xFFFFFFE0 ss:$0x1] =	vst.idx.msk $0xffff, v6  }
0x29: {  	s22 =	simm.s32 $0x800;
	s23 =	simm.s32 $0x1000;
	v4 =	vld [tilespmem:s21+$0x30];
	[tilespmem:v0+s20+$0xFFFFFFF0 ss:$0x1] =	vst.idx.msk $0xffff, v7  }
.LBB1_5:
0x2a: {  	p0 =	sne.s32 s23, $0x3800;
	v6 =	vld [tilespmem:s21+$0xFFFFFFD0];
	[tilespmem:v0+s20+$0x0 ss:$0x1] =	vst.idx.msk $0xffff, v1  }
0x2b: {  	v7 =	vld [tilespmem:s21+$0xFFFFFFE0];
	[tilespmem:v0+s20+$0x10 ss:$0x1] =	vst.idx.msk $0xffff, v3  }
0x2c: {  	v8 =	vld [tilespmem:s21+$0xFFFFFFF0];
	[tilespmem:v0+s20+$0x20 ss:$0x1] =	vst.idx.msk $0xffff, v5  }
.Ltmp3:
0x2d: {  	v1 =	vld [tilespmem:s21+$0x0];
	[tilespmem:v0+s20+$0xFFFFFFC0 ss:$0x1] =	vst.idx.msk $0xffff, v2;
	s20 =	sshra.s32 s22, $0x2;
	s22 =	smov.u32 s23;
	(pc) =	sbr.rel @p0 .LBB1_5-.Ltmp3, $4  }
0x2e: {  	v3 =	vld [tilespmem:s21+$0x10];
	[tilespmem:v0+s20+$0x30 ss:$0x1] =	vst.idx.msk $0xffff, v4  }
0x2f: {  	[tilespmem:v0+s20+$0xFFFFFFD0 ss:$0x1] =	vst.idx.msk $0xffff, v6;
	v5 =	vld [tilespmem:s21+$0x20]  }
0x30: {  	v2 =	vld [tilespmem:s21+$0xFFFFFFC0];
	[tilespmem:v0+s20+$0xFFFFFFE0 ss:$0x1] =	vst.idx.msk $0xffff, v7;
	s21 =	sadd.s32 $0x80, s21  }
0x31: {  	s23 =	sadd.s32 $0x800, s23;
	v4 =	vld [tilespmem:s21+$0x30];
	[tilespmem:v0+s20+$0xFFFFFFF0 ss:$0x1] =	vst.idx.msk $0xffff, v8  }
0x32: {  	_ =	sdelay $0x3  }
0x33: {  	v6 =	vld [tilespmem:s21+$0xFFFFFFD0];
	[tilespmem:v0+s20+$0x0 ss:$0x1] =	vst.idx.msk $0xffff, v1  }
0x34: {  	v58 =	vld [tilespmem:s21+$0xFFFFFFE0];
	[tilespmem:v0+s20+$0x10 ss:$0x1] =	vst.idx.msk $0xffff, v3  }
0x35: {  	v59 =	vld [tilespmem:s21+$0xFFFFFFF0];
	[tilespmem:v0+s20+$0x20 ss:$0x1] =	vst.idx.msk $0xffff, v5  }
0x36: {  	s22 =	sshra.s32 s22, $0x2;
	v60 =	vld [tilespmem:s21+$0x0];
	[tilespmem:v0+s20+$0xFFFFFFC0 ss:$0x1] =	vst.idx.msk $0xffff, v2  }
0x37: {  	v61 =	vld [tilespmem:s21+$0x10];
	[tilespmem:v0+s22+$0x30 ss:$0x1] =	vst.idx.msk $0xffff, v4  }
0x38: {  	v62 =	vld [tilespmem:s21+$0x20];
	s19 =	sadd.s32 $0x1, s19;
	[tilespmem:v0+s22+$0xFFFFFFD0 ss:$0x1] =	vst.idx.msk $0xffff, v6  }
0x39: {  	v63 =	vld [tilespmem:s21+$0xFFFFFFC0];
	p0 =	sne.s32 s19, $0x4;
	[tilespmem:v0+s22+$0xFFFFFFE0 ss:$0x1] =	vst.idx.msk $0xffff, v58  }
.Ltmp4:
0x3a: {  	[tilespmem:v0+s22+$0xFFFFFFF0 ss:$0x1] =	vst.idx.msk $0xffff, v59;
	(pc) =	sbr.rel @p0 .LBB1_4-.Ltmp4, $4  }
0x3b: {  	[tilespmem:v0+s22+$0x0 ss:$0x1] =	vst.idx.msk $0xffff, v60  }
0x3c: {  	[tilespmem:v0+s22+$0x10 ss:$0x1] =	vst.idx.msk $0xffff, v61  }
0x3d: {  	[tilespmem:v0+s22+$0x20 ss:$0x1] =	vst.idx.msk $0xffff, v62  }
0x3e: {  	s18 =	sadd.s32 $0x400, s18;
	s17 =	sadd.s32 $0x80, s17;
	[tilespmem:v0+s22+$0xFFFFFFC0 ss:$0x1] =	vst.idx.msk $0xffff, v63  }
0x3f: {  	s16 =	sadd.s32 $0x1, s16  }
0x40: {  	p0 =	sne.s32 s16, $0x4  }
.Ltmp5:
0x41: {  	_ = 	snop;
	(pc) =	sbr.rel @p0 .LBB1_3-.Ltmp5, $2  }
0x42: {  	_ =	sdelay $0x2  }
0x43: {  	s13 =	sadd.s32 $0x1000, s13;
	s14 =	sadd.s32 $0x1000, s14  }
.Ltmp6:
0x44: {  	(pc) =	sbr.rel .LBB1_9-.Ltmp6, $4  }
0x45: {  	_ = 	snop  }
0x46: {  	s12 =	sshll.u32 s12, $0x9  }
0x47: {  	s12 =	sadd.s32 s4, s12  }
0x48: {  	[hbm4b:s12+s8] =	stream.linear.scatter [tilespmem:s15], [sflag:$0x2], $0x4000, $0x38;
	[tilespmem:$0x10000] =	vst v63  }
.LBB1_10:
0x49: {  	_ =	sfence.sel $0x180000  }
0x4a: {  	s2 =	simm.s32 $0x1;
	[bflag:$0x0] =	sbarrier.arrive $0xFFFF  }
0x4b: {  	s31 =	simm.s32 $0x2;
	[sflag:s2] =	ssyncpa.u1 $0x1  }
0x4c: {  	[sflag:s31] =	ssyncpa.u1 $0x1  }
0x4d: {  	p0 =	sne.s32 s0, $0x0;
	_ =	strace $0x90000047  }
0x4e: {  	s0 =	sadd.s32 @!p0 $0x100000, s1;
	[bflag:$0x2] =	sbarrier.arrive $0xFFFF  }
0x4f: {  	[sflag:s0] =	ssyncadd.tile.s32 @!p0 $0x1;
	_ =	shalt  }
.Lfunc_end1:
_tile_overlayer_lowered:
.L_overlay_start_2:
0x50: {  	(tag) =	ssettag $0x2  }
0x51: {  	s0 =	rddreg [dreg:$0x0];
	s2 =	stileid.u32  }
0x52: {  	s1 =	rddreg [dreg:$0x1];
	p0 =	sne.s32 s2, $0x0  }
0x53: {  	s3 =	rddreg [dreg:$0x2];
	[bflag:$0x3] =	sbarrier.arrive $0xFFFF;
	s2 =	simm.s32 @!p0 $0x1C01  }
0x54: {  	[timem:s3], [sflag:s2] =	dma.local @!p0 [hbm:s0], s1  }
0x55: {  	s0 =	simm.s32 @!p0 $0x1  }
0x56: {  	_ =	swait.ge @!p0 [sflag:s0], s1  }
0x57: {  	s1 =	ssub.s32 @!p0 $0x0, s1;
	[sflag:s0] =	ssyncset.done @!p0 $0x0  }
0x58: {  	[sflag:s0] =	ssyncadd.s32 @!p0 s1  }
0x59: {  	[bflag:$0x3] =	sbarrier.arrive $0xFFFF  }
0x5a: {  	_ =	shalt  }

</sc_bundles>
